<compile_context>
chip_gen: v7x
topology: tpu7x:2x2x1
jax: 0.10.2.dev20260603
libtpu: 0.0.44.dev20260713+nightly
codegen_flags: <defaults>
</compile_context>

<pallas_src>
import functools

import jax
import jax.numpy as jnp
from jax import lax
from jax.experimental import pallas as pl
from jax.experimental.pallas import tpu as pltpu
from jax.experimental.pallas import tpu_sc as plsc

_NC = 2
_NS = 16
_NW = _NC * _NS
_L = 16


@functools.lru_cache(maxsize=None)
def _build(n: int, tbl: int, chunk: int, rest: int):
    mesh = plsc.VectorSubcoreMesh(core_axis_name="c", subcore_axis_name="s")

    @functools.partial(
        pl.kernel,
        mesh=mesh,
        out_type=jax.ShapeDtypeStruct((n,), jnp.float32),
        scratch_types=[
            pltpu.VMEM((tbl,), jnp.float32),
            pltpu.VMEM((rest,), jnp.int32),
            pltpu.VMEM((rest,), jnp.float32),
            pltpu.VMEM((rest,), jnp.float32),
            pltpu.SemaphoreType.DMA,
            pltpu.SemaphoreType.DMA,
        ],
        compiler_params=pltpu.CompilerParams(needs_layout_passes=False),
    )
    def sc_kernel(e_hbm, z_hbm, t_hbm, out_hbm, t_v, z_v, e_v, o_v,
                  sem_z, sem_e):
        wid = lax.axis_index("s") * _NC + lax.axis_index("c")
        base = wid * chunk
        cp_z = pltpu.async_copy(z_hbm.at[pl.ds(base, rest)], z_v, sem_z)
        cp_e = pltpu.async_copy(e_hbm.at[pl.ds(base, rest)], e_v, sem_e)
        pltpu.sync_copy(t_hbm, t_v)
        cp_z.wait()
        cp_e.wait()

        @plsc.parallel_loop(0, rest, _L, unroll=8)
        def step(i):
            sl = pl.ds(i, _L)
            scales = plsc.load_gather(t_v, [z_v[sl]])
            o_v[sl] = e_v[sl] * scales

        pltpu.sync_copy(o_v, out_hbm.at[pl.ds(base, rest)])

    return sc_kernel


@functools.lru_cache(maxsize=None)
def _build_padded(n_pad: int, tbl: int, chunk: int):
    mesh = plsc.VectorSubcoreMesh(core_axis_name="c", subcore_axis_name="s")

    @functools.partial(
        pl.kernel,
        mesh=mesh,
        out_type=jax.ShapeDtypeStruct((n_pad,), jnp.float32),
        scratch_types=[
            pltpu.VMEM((tbl,), jnp.float32),
            pltpu.VMEM((chunk,), jnp.int32),
            pltpu.VMEM((chunk,), jnp.float32),
            pltpu.VMEM((chunk,), jnp.float32),
        ],
        compiler_params=pltpu.CompilerParams(needs_layout_passes=False),
    )
    def sc_kernel(e_hbm, z_hbm, t_hbm, out_hbm, t_v, z_v, e_v, o_v):
        wid = lax.axis_index("s") * _NC + lax.axis_index("c")
        base = wid * chunk
        pltpu.sync_copy(t_hbm, t_v)
        pltpu.sync_copy(z_hbm.at[pl.ds(base, chunk)], z_v)
        pltpu.sync_copy(e_hbm.at[pl.ds(base, chunk)], e_v)

        @pl.loop(0, chunk // _L, unroll=8)
        def step(i):
            sl = pl.ds(i * _L, _L)
            scales = plsc.load_gather(t_v, [z_v[sl]])
            o_v[sl] = e_v[sl] * scales

        pltpu.sync_copy(o_v, out_hbm.at[pl.ds(base, chunk)])

    return sc_kernel


def kernel(local_energies, Z, per_element_scaling):
    e = jnp.squeeze(local_energies)
    n = e.shape[0]
    z = Z.astype(jnp.int32)
    t = per_element_scaling.astype(jnp.float32).reshape(-1)
    tbl = t.shape[0]

    if n % _L == 0 and (n // _NW) // _L > 0:
        chunk = (n // _NW) // _L * _L
        rest = n - (_NW - 1) * chunk
        return _build(n, tbl, chunk, rest)(e, z, t)

    chunk = -(-n // _NW)
    chunk = -(-chunk // _L) * _L
    n_pad = chunk * _NW
    e = jnp.pad(e, (0, n_pad - n))
    z = jnp.pad(z, (0, n_pad - n))
    out = _build_padded(n_pad, tbl, chunk)(e, z, t)
    return out[:n]

# --- scband reference (transcript-rebuilt; emitter-appended) ---
"""Pipeline reference for scband-local-energies-scaler-78357383348427 (READ-ONLY COPY).

The authoritative reference and input builder live on the scoring server;
editing this copy changes nothing except your own understanding.
"""

import jax, jax.numpy as jnp
import numpy as np

MAX_Z = 119

def setup_inputs(seed: int = 0) -> dict:
    key = jax.random.key(seed)
    k1, k2, k3 = jax.random.split(key, 3)
    local_energies = jax.random.normal(k1, (100000,), dtype=jnp.float32)
    Z = jax.random.randint(k2, (100000,), 0, MAX_Z, dtype=jnp.int64)
    # per-element scaling parameter, PerElementParameter.of_length(1, default_value=1.0)
    per_element_scaling = jnp.ones((MAX_Z, 1), dtype=jnp.float32)
    return {"local_energies": local_energies, "Z": Z, "per_element_scaling": per_element_scaling}

def reference(local_energies, Z, per_element_scaling):
    # scales = self.per_element_scaling[graph.Z].squeeze()
    scales = jnp.take(per_element_scaling, Z, axis=0).squeeze()
    # return local_energies.squeeze() * scales
    return jnp.squeeze(local_energies) * scales

if __name__ == "__main__":
    import jax
    _d = setup_inputs()
    print(jax.jit(kernel)(*tuple(_d.values())))

</pallas_src>

<mosaic_0001>
#map = affine_map<(d0, d1) -> (0)>
module attributes {stable_mosaic.version = 14 : i64} {
  func.func @sc_kernel(%arg0: i32, %arg1: i32, %arg2: memref<100000xf32, #tpu.memory_space<hbm>>, %arg3: memref<100000xi32, #tpu.memory_space<hbm>>, %arg4: memref<119xf32, #tpu.memory_space<hbm>>, %arg5: memref<100000xf32, #tpu.memory_space<hbm>>, %arg6: memref<119xf32, #tpu.memory_space<vmem>>, %arg7: memref<3280xi32, #tpu.memory_space<vmem>>, %arg8: memref<3280xf32, #tpu.memory_space<vmem>>, %arg9: memref<3280xf32, #tpu.memory_space<vmem>>, %arg10: memref<!tpu.dma_semaphore, #tpu.memory_space<semaphore_mem>>, %arg11: memref<!tpu.dma_semaphore, #tpu.memory_space<semaphore_mem>>) attributes {dimension_semantics = [#tpu.dimension_semantics<core_parallel>, #tpu.dimension_semantics<subcore_parallel>], iteration_bounds = array<i64: 2, 16>, scalar_prefetch = 0 : i64, scratch_operands = 6 : i64, tpu.core_type = #tpu.core_type<sc_vector_subcore>, window_params = [{transform_indices = #map}, {transform_indices = #map}, {transform_indices = #map}, {transform_indices = #map}]} {
    %mul3A = arith.constant 2 : i32
    %mul3A_0 = arith.muli %arg1, %mul3A : i32
    %add3A = arith.addi %mul3A_0, %arg0 : i32
    %mul3A_1 = arith.constant 3120 : i32
    %mul3A_2 = arith.muli %add3A, %mul3A_1 : i32
    %dma_start3A = tpu.memref_slice %arg3[%mul3A_2] : memref<100000xi32, #tpu.memory_space<hbm>> -> memref<3280xi32, #tpu.memory_space<hbm>>
    %dma_start3A_3 = tpu.memref_slice %arg3[%mul3A_2] : memref<100000xi32, #tpu.memory_space<hbm>> -> memref<3280xi32, #tpu.memory_space<hbm>>
    tpu.enqueue_dma source(%dma_start3A_3 : memref<3280xi32, #tpu.memory_space<hbm>>) target(%arg7 : memref<3280xi32, #tpu.memory_space<vmem>>) target_semaphore(%arg10 : memref<!tpu.dma_semaphore, #tpu.memory_space<semaphore_mem>>)
    %dma_start3A_4 = tpu.memref_slice %arg2[%mul3A_2] : memref<100000xf32, #tpu.memory_space<hbm>> -> memref<3280xf32, #tpu.memory_space<hbm>>
    %dma_start3A_5 = tpu.memref_slice %arg2[%mul3A_2] : memref<100000xf32, #tpu.memory_space<hbm>> -> memref<3280xf32, #tpu.memory_space<hbm>>
    tpu.enqueue_dma source(%dma_start3A_5 : memref<3280xf32, #tpu.memory_space<hbm>>) target(%arg8 : memref<3280xf32, #tpu.memory_space<vmem>>) target_semaphore(%arg11 : memref<!tpu.dma_semaphore, #tpu.memory_space<semaphore_mem>>)
    "tpu.region"() ({
      %run_scoped3A = tpu.sem_alloc : memref<!tpu.dma_semaphore, #tpu.memory_space<semaphore_mem>>
      tpu.enqueue_dma source(%arg4 : memref<119xf32, #tpu.memory_space<hbm>>) target(%arg6 : memref<119xf32, #tpu.memory_space<vmem>>) target_semaphore(%run_scoped3A : memref<!tpu.dma_semaphore, #tpu.memory_space<semaphore_mem>>)
      tpu.wait_dma2 semaphore(%run_scoped3A : memref<!tpu.dma_semaphore, #tpu.memory_space<semaphore_mem>>) src(%arg4 : memref<119xf32, #tpu.memory_space<hbm>>) dst(%arg6 : memref<119xf32, #tpu.memory_space<vmem>>)
      tpu.yield
    }) : () -> ()
    %dma_wait3A = tpu.memref_slice %arg3[%mul3A_2] : memref<100000xi32, #tpu.memory_space<hbm>> -> memref<3280xi32, #tpu.memory_space<hbm>>
    %dma_wait3A_6 = tpu.memref_slice %arg3[%mul3A_2] : memref<100000xi32, #tpu.memory_space<hbm>> -> memref<3280xi32, #tpu.memory_space<hbm>>
    tpu.wait_dma2 semaphore(%arg10 : memref<!tpu.dma_semaphore, #tpu.memory_space<semaphore_mem>>) src(%dma_wait3A_6 : memref<3280xi32, #tpu.memory_space<hbm>>) dst(%arg7 : memref<3280xi32, #tpu.memory_space<vmem>>)
    %dma_wait3A_7 = tpu.memref_slice %arg2[%mul3A_2] : memref<100000xf32, #tpu.memory_space<hbm>> -> memref<3280xf32, #tpu.memory_space<hbm>>
    %dma_wait3A_8 = tpu.memref_slice %arg2[%mul3A_2] : memref<100000xf32, #tpu.memory_space<hbm>> -> memref<3280xf32, #tpu.memory_space<hbm>>
    tpu.wait_dma2 semaphore(%arg11 : memref<!tpu.dma_semaphore, #tpu.memory_space<semaphore_mem>>) src(%dma_wait3A_8 : memref<3280xf32, #tpu.memory_space<hbm>>) dst(%arg8 : memref<3280xf32, #tpu.memory_space<vmem>>)
    %parallel_loop3A = arith.constant 0 : i32
    %parallel_loop3A_9 = arith.constant 3280 : i32
    %parallel_loop3A_10 = arith.constant 16 : i32
    scf.for %parallel_loop3A_11 = %parallel_loop3A to %parallel_loop3A_9 step %parallel_loop3A_10  : i32 {
      %parallel_loop3A_12 = arith.index_cast %parallel_loop3A_11 : i32 to index
      %parallel_loop3A_13 = tpu.vector_load %arg7[%parallel_loop3A_12] {strides = array<i32>} : memref<3280xi32, #tpu.memory_space<vmem>>, vector<16xi32>,
      %parallel_loop3A_14 = tpu.vector_load_idx %arg6[%parallel_loop3A_13] : memref<119xf32, #tpu.memory_space<vmem>>[vector<16xi32>], vector<16xf32>,
      %parallel_loop3A_15 = arith.index_cast %parallel_loop3A_11 : i32 to index
      %parallel_loop3A_16 = tpu.vector_load %arg8[%parallel_loop3A_15] {strides = array<i32>} : memref<3280xf32, #tpu.memory_space<vmem>>, vector<16xf32>,
      %parallel_loop3A_17 = arith.mulf %parallel_loop3A_16, %parallel_loop3A_14 : vector<16xf32>
      %parallel_loop3A_18 = arith.index_cast %parallel_loop3A_11 : i32 to index
      %parallel_loop3A_19 = tpu.vector_load %arg9[%parallel_loop3A_18] {strides = array<i32>} : memref<3280xf32, #tpu.memory_space<vmem>>, vector<16xf32>,
      tpu.vector_store %arg9[%parallel_loop3A_18], %parallel_loop3A_17 {strides = array<i32>} : memref<3280xf32, #tpu.memory_space<vmem>>, vector<16xf32>,
    } {sc.loop_unroll_factor = 8 : i64, sc.parallel_access}
    "tpu.region"() ({
      %run_scoped3A = tpu.sem_alloc : memref<!tpu.dma_semaphore, #tpu.memory_space<semaphore_mem>>
      %dma_start3A_11 = tpu.memref_slice %arg5[%mul3A_2] : memref<100000xf32, #tpu.memory_space<hbm>> -> memref<3280xf32, #tpu.memory_space<hbm>>
      %dma_start3A_12 = tpu.memref_slice %arg5[%mul3A_2] : memref<100000xf32, #tpu.memory_space<hbm>> -> memref<3280xf32, #tpu.memory_space<hbm>>
      tpu.enqueue_dma source(%arg9 : memref<3280xf32, #tpu.memory_space<vmem>>) target(%dma_start3A_12 : memref<3280xf32, #tpu.memory_space<hbm>>) target_semaphore(%run_scoped3A : memref<!tpu.dma_semaphore, #tpu.memory_space<semaphore_mem>>)
      %dma_wait3A_13 = tpu.memref_slice %arg5[%mul3A_2] : memref<100000xf32, #tpu.memory_space<hbm>> -> memref<3280xf32, #tpu.memory_space<hbm>>
      %dma_wait3A_14 = tpu.memref_slice %arg5[%mul3A_2] : memref<100000xf32, #tpu.memory_space<hbm>> -> memref<3280xf32, #tpu.memory_space<hbm>>
      tpu.wait_dma2 semaphore(%run_scoped3A : memref<!tpu.dma_semaphore, #tpu.memory_space<semaphore_mem>>) src(%arg9 : memref<3280xf32, #tpu.memory_space<vmem>>) dst(%dma_wait3A_14 : memref<3280xf32, #tpu.memory_space<hbm>>)
      tpu.yield
    }) : () -> ()
    return
  }
}

</mosaic_0001>

<sc_bundles>
// kernel: kernel.3.cloned.1.call-start
scs
__scs_entry_jumppad:
0x0: {  	(pc) =	sbr.rel $0x88, $3  }
0x1: {  	(tag) =	ssettag $0x0;
	lr =	simm.s32 $0x1  }
0x2: {  	[smem:$0x3F9E] =	sst lr;
	_ =	strace $0xD0000000  }
0x3: {  	_ = 	snop  }
0x4: {  	_ = 	snop  }
0x5: {  	_ = 	snop  }
0x6: {  	_ = 	snop  }
0x7: {  	_ = 	snop  }
__scs_overlays_trampoline_lowered:
0x8: {  	[smem:$0x3FAD] =	sst s0  }
0x9: {  	[smem:$0x3FAE] =	sst s1  }
0xa: {  	[smem:$0x3FAF] =	sst s2  }
0xb: {  	[smem:$0x3FB0] =	sst s3  }
0xc: {  	[smem:$0x3FB1] =	sst s4  }
0xd: {  	[smem:$0x3FB2] =	sst s5  }
0xe: {  	[smem:$0x3FB3] =	sst s6  }
0xf: {  	[smem:$0x3FB4] =	sst s7  }
0x10: {  	[smem:$0x3FB5] =	sst s8  }
0x11: {  	[smem:$0x3FB6] =	sst s9;
	s0 =	simm.s32 @!p0 $0x0  }
0x12: {  	s1 =	sld [smem:$0x3F9C];
	s0 =	simm.s32 @p0 $0x1  }
0x13: {  	[smem:$0x3FB7] =	sst s0;
	s0 =	simm.s32 @!p1 $0x0  }
0x14: {  	s2 =	sld [smem:$0x3F9B];
	s0 =	simm.s32 @p1 $0x1  }
0x15: {  	[smem:$0x3FB8] =	sst s0;
	s0 =	simm.s32 @!p2 $0x0  }
0x16: {  	s3 =	sld [smem:$0x3FDB];
	s0 =	simm.s32 @p2 $0x1  }
0x17: {  	s4 =	simm.s32 $0x1BF5;
	[smem:$0x3FBA] =	sst s0  }
0x18: {  	s0 =	sld [smem:$0x3F9D];
	_ =	swait.ge [sflag:s4], $0x0  }
0x19: {  	s7 =	sld [smem:$0x3F9E]  }
0x1a: {  	s8 =	sadd.s32 $0xFFFFE003, lr  }
0x1b: {  	s9 =	sadd.s32 $0xFFFFFEF7, lr;
	s5 =	simm.s32 $0xFFFFFFFF;
	p2 =	slt.u32 s8, $0xFFFFF086  }
0x1c: {  	p1 =	slt.u32 s9, $0xF7A;
	s5 =	simm.s32 @!p2 $0x0  }
0x1d: {  	s5 =	simm.s32 @p1 $0x1;
	p0 =	seq.s32 s7, s2  }
0x1e: {  	s7 =	smul.u32 @!p0 $0xF7A, s2;
	p2 =	seq.s32 @!p0 s5, $0x0  }
0x1f: {  	s9 =	smul.u32 $0xF7A, s1;
	s8 =	simm.s32 @!p0 $0x1BF5;
	p2 =	por !p2, p0  }
0x20: {  	[sflag:s8] =	ssyncset.s32 @!p0 $0xFFFFF086;
	s6 =	sadd.s32 @!p0 s3, s7;
	s7 =	simm.s32 @!p0 $0x108  }
0x21: {  	s3 =	sadd.s32 s3, s9;
	s6 =	sadd.s32 @!p0 $0x88, s6;
	s7 =	simm.s32 @p2 $0x1082  }
0x22: {  	[simem:s7], [sflag:s8] =	dma.local @!p0 [hbm:s6], $0xF7A  }
0x23: {  	s9 =	sor.u32 $0xD0000000, s2;
	s6 =	simm.s32 $0x108;
	_ =	swait.ge @!p0 [sflag:s8], $0x0  }
0x24: {  	s3 =	sadd.s32 $0x88, s3;
	s6 =	simm.s32 @!p1 $0x1082;
	[sflag:s4] =	ssyncset.s32 $0xFFFFF086  }
0x25: {  	[simem:s6], [sflag:s4] =	dma.local [hbm:s3], $0xF7A  }
0x26: {  	[smem:$0x3F9E] =	sst s1;
	(tag) =	ssettag s2;
	_ =	strace s9  }
0x27: {  	s1 =	sld [smem:$0x3FAE]  }
0x28: {  	s2 =	sld [smem:$0x3FAF]  }
0x29: {  	s4 =	sld [smem:$0x3FB1]  }
0x2a: {  	p0 =	seq.s32 s5, $0x0;
	s5 =	sld [smem:$0x3FB2]  }
0x2b: {  	s6 =	sld [smem:$0x3FB3]  }
0x2c: {  	s7 =	sld [smem:$0x3FB4]  }
0x2d: {  	s3 =	simm.s32 $0x108;
	s8 =	sld [smem:$0x3FB5]  }
0x2e: {  	s3 =	simm.s32 @!p0 $0x1082;
	s9 =	sld [smem:$0x3FB6]  }
0x2f: {  	lr =	sadd.s32 s0, s3;
	s0 =	sld [smem:$0x3FAD]  }
0x30: {  	s3 =	sld [smem:$0x3FB0]  }
0x31: {  	[smem:$0x3FB9] =	sst s10  }
0x32: {  	s10 =	sld [smem:$0x3FB7];
	_ =	sdelay $0x3  }
0x33: {  	p0 =	seq.s32 s10, $0x1;
	s10 =	sld [smem:$0x3FB9];
	_ =	sdelay $0x3  }
0x34: {  	[smem:$0x3FB9] =	sst s10  }
0x35: {  	s10 =	sld [smem:$0x3FB8];
	_ =	sdelay $0x3  }
0x36: {  	p1 =	seq.s32 s10, $0x1;
	s10 =	sld [smem:$0x3FB9];
	_ =	sdelay $0x3  }
0x37: {  	[smem:$0x3FB9] =	sst s10  }
0x38: {  	s10 =	sld [smem:$0x3FBA]  }
0x39: {  	_ = 	snop;
	(pc) =	sbr.ind lr, $3  }
0x3a: {  	_ = 	snop  }
0x3b: {  	_ = 	snop  }
0x3c: {  	p2 =	seq.s32 s10, $0x1;
	s10 =	sld [smem:$0x3FB9]  }
0x3d: {  	_ =	shalt  }
0x3e: {  	_ =	shalt  }
0x3f: {  	_ =	shalt  }
0x40: {  	_ =	shalt  }
0x41: {  	_ =	shalt  }
0x42: {  	_ =	shalt  }
0x43: {  	_ =	shalt  }
0x44: {  	_ =	shalt  }
0x45: {  	_ =	shalt  }
0x46: {  	_ =	shalt  }
0x47: {  	_ =	shalt  }
0x48: {  	_ =	shalt  }
0x49: {  	_ =	shalt  }
0x4a: {  	_ =	shalt  }
0x4b: {  	_ =	shalt  }
0x4c: {  	_ =	shalt  }
0x4d: {  	_ =	shalt  }
0x4e: {  	_ =	shalt  }
0x4f: {  	_ =	shalt  }
0x50: {  	_ =	shalt  }
0x51: {  	_ =	shalt  }
0x52: {  	_ =	shalt  }
0x53: {  	_ =	shalt  }
0x54: {  	_ =	shalt  }
0x55: {  	_ =	shalt  }
0x56: {  	_ =	shalt  }
0x57: {  	_ =	shalt  }
0x58: {  	_ =	shalt  }
0x59: {  	_ =	shalt  }
0x5a: {  	_ =	shalt  }
0x5b: {  	_ =	shalt  }
0x5c: {  	_ =	shalt  }
0x5d: {  	_ =	shalt  }
0x5e: {  	_ =	shalt  }
0x5f: {  	_ =	shalt  }
0x60: {  	_ =	shalt  }
0x61: {  	_ =	shalt  }
0x62: {  	_ =	shalt  }
0x63: {  	_ =	shalt  }
0x64: {  	_ =	shalt  }
0x65: {  	_ =	shalt  }
0x66: {  	_ =	shalt  }
0x67: {  	_ =	shalt  }
0x68: {  	_ =	shalt  }
0x69: {  	_ =	shalt  }
0x6a: {  	_ =	shalt  }
0x6b: {  	_ =	shalt  }
0x6c: {  	_ =	shalt  }
0x6d: {  	_ =	shalt  }
0x6e: {  	_ =	shalt  }
0x6f: {  	_ =	shalt  }
0x70: {  	_ =	shalt  }
0x71: {  	_ =	shalt  }
0x72: {  	_ =	shalt  }
0x73: {  	_ =	shalt  }
0x74: {  	_ =	shalt  }
0x75: {  	_ =	shalt  }
0x76: {  	_ =	shalt  }
0x77: {  	_ =	shalt  }
0x78: {  	_ =	shalt  }
0x79: {  	_ =	shalt  }
0x7a: {  	_ =	shalt  }
0x7b: {  	_ =	shalt  }
0x7c: {  	_ =	shalt  }
0x7d: {  	_ =	shalt  }
0x7e: {  	_ =	shalt  }
0x7f: {  	_ =	shalt  }
0x80: {  	_ =	shalt  }
0x81: {  	_ =	shalt  }
0x82: {  	_ =	shalt  }
0x83: {  	_ =	shalt  }
0x84: {  	_ =	shalt  }
0x85: {  	_ =	shalt  }
0x86: {  	_ =	shalt  }
0x87: {  	_ =	shalt  }
.Lfunc_end0:
.L_simem_size_0:
called_computation_lowered:
.L_overlay_start_0:
0x88: {  	s2 =	sld [smem:$0x3FD9]  }
0x89: {  	s3 =	sld [smem:$0x3FFE];
	_ =	sdelay $0x1  }
0x8a: {  	s1 =	srdreg.scid  }
0x8b: {  	s0 =	sand.u32 $0x1, s1  }
0x8c: {  	s18 =	sshll.u32 s0, $0xA;
	s2 =	sadd.s32 s3, s2  }
0x8d: {  	s2 =	sadd.s32 s2, s18  }
0x8e: {  	[smem:$0x3FC5] =	sst s2  }
0x8f: {  	_ = 	snop  }
0x90: {  	s2 =	sld [smem:$0x3FC9]  }
0x91: {  	s19 =	sld [smem:$0x3FC8]  }
0x92: {  	s4 =	sld [smem:$0x3FC7]  }
0x93: {  	s5 =	sld [smem:$0x3FD0];
	(tm) =	ssettm $0x1  }
0x94: {  	s6 =	sld [smem:$0x3FFB];
	_ =	sdelay $0x3  }
0x95: {  	_ =	strace s6  }
0x96: {  	s6 =	sld [smem:$0x3FFC];
	_ =	sdelay $0x3  }
0x97: {  	_ =	strace s6  }
0x98: {  	s6 =	sld [smem:$0x3FFD];
	_ =	sdelay $0x3  }
0x99: {  	_ =	strace s6  }
0x9a: {  	_ =	strace $0x8FFFFFFF  }
0x9b: {  	s20 =	sld [smem:$0x3FDB];
	_ =	sdelay $0x1  }
0x9c: {  	s7 =	simm.s32 $_scs_section_size  }
0x9d: {  	s8 =	simm.s32 $_size__tile_overlayer_lowered;
	s9 =	simm.s32 $_tile_overlayer_lowered  }
0x9e: {  	s23 =	simm.s32 $0x1BFF;
	s22 =	sshll.u32 s9, $0x1;
	s6 =	sadd.s32 s7, s20  }
0x9f: {  	s10 =	simm.s32 $0x0;
	s21 =	sshll.u32 s8, $0x1;
	s8 =	sadd.s32 s22, s6  }
0xa0: {  	[timem:s10], [sflag:s23] =	dma.local [hbm:s8], s21  }
0xa1: {  	_ =	swait.ge [sflag:s23], s21  }
0xa2: {  	s7 =	ssub.s32 $0x0, s21;
	[sflag:s23] =	ssyncset.done $0x0  }
0xa3: {  	[sflag:s23] =	ssyncadd.s32 s7;
	_ =	sdelay $0x1  }
0xa4: {  	s24 =	simm.s32 $0x1B8B  }
0xa5: {  	_ =	swait.ge [sflag:s24], $0x1  }
0xa6: {  	[sflag:s24] =	ssyncset.done $0x0  }
0xa7: {  	s25 =	simm.s32 $0x1B8E;
	[sflag:s24] =	ssyncadd.s32 $0xFFFFFFFF  }
0xa8: {  	s26 =	simm.s32 $execute0_lowered;
	[smem:$0x3FD2] =	sst s25  }
0xa9: {  	s7 =	sshll.u32 s26, $0x1;
	_ =	strace $0x80000046;
	[dreg:$0x1] =	wrdreg $0xFFFFFFFF  }
0xaa: {  	s28 =	simm.s32 $_size_execute0_lowered;
	s6 =	sadd.s32 s6, s7;
	[dreg:$0x0] =	wrdreg $0x0  }
0xab: {  	s7 =	sshll.u32 s28, $0x1;
	[dreg:$0x2] =	wrdreg s6  }
0xac: {  	[dreg:$0x3] =	wrdreg s7  }
0xad: {  	[dreg:$0x4] =	wrdreg $0xC0  }
0xae: {  	_ =	task [dreg:s10], $0x5FFFF  }
0xaf: {  	[dreg:$0x1] =	wrdreg $0xFFFFFFFF  }
0xb0: {  	[dreg:$0x0] =	wrdreg $0x60  }
0xb1: {  	[dreg:$0x2] =	wrdreg s2  }
0xb2: {  	[dreg:$0x3] =	wrdreg s19  }
0xb3: {  	[dreg:$0x4] =	wrdreg s4  }
0xb4: {  	[dreg:$0x5] =	wrdreg s5  }
0xb5: {  	[dreg:$0x6] =	wrdreg $0x9  }
0xb6: {  	_ =	task.clear_ibuf [dreg:s10], $0x7FFFF;
	_ =	strace $0x90000046  }
0xb7: {  	s29 =	simm.s32 $0x9;
	_ =	strace $0x80000048  }
0xb8: {  	_ =	swait.ge [sflag:s29], $0x1  }
0xb9: {  	[sflag:s29] =	ssyncadd.s32 $0xFFFFFFFF  }
0xba: {  	_ =	strace $0x90000048  }
0xbb: {  	_ =	sfence  }
0xbc: {  	s30 =	sld [smem:$0x0];
	_ =	sdelay $0x2  }
0xbd: {  	s31 =	sshll.u32 s1, $0xD;
	s1 =	sshrl.u32 s1, $0x2  }
0xbe: {  	s3 =	sand.u32 $0x4000, s31;
	s1 =	sadd.s32 s1, s30  }
0xbf: {  	s0 =	sor.u32 s3, s0;
	s1 =	sshll.u32 s1, $0x11  }
0xc0: {  	s0 =	sor.u32 s1, s0  }
0xc1: {  	s0 =	sadd.s32 $0x8F2B, s0  }
0xc2: {  	[sflag:s0] =	ssyncadd.remote.s32 $0x1  }
0xc3: {  	_ =	sfence.sel $0xFFFF  }
0xc4: {  	[dreg:$0x0] =	wrdreg $0xFFFFFFFF;
	(pc) =	sbr.abs _section_cstart, $3  }
0xc5: {  	[dreg:$0x1] =	wrdreg $0xFFFFFFFF  }
0xc6: {  	_ =	task.clear_ibuf [dreg:s10], $0x2FFFF;
	_ =	strace $0x9FFFFFFF  }
0xc7: {  	(tm) =	ssettm $0x7FFFFFFF  }
tec
execute0_lowered:
.L_overlay_start_1:
0x0: {  	(tag) =	ssettag $0x1  }
0x1: {  	s5 =	rddreg [dreg:$0x0]  }
0x2: {  	s4 =	rddreg [dreg:$0x1]  }
0x3: {  	s2 =	rddreg [dreg:$0x2];
	s1 =	srdreg.scid  }
0x4: {  	s0 =	stileid.u32;
	s6 =	rddreg [dreg:$0x3];
	s3 =	simm.s32 $0x0  }
0x5: {  	s10 =	simm.s32 $0x3;
	s11 =	simm.s32 $0x1;
	s12 =	simm.s32 $0x2  }
0x6: {  	s13 =	simm.s32 $0x1A80;
	s7 =	sand.u32 $0x1, s1;
	s8 =	sshll.u32 s0, $0x1  }
0x7: {  	s14 =	simm.s32 $0x0;
	s8 =	sor.u32 s7, s8;
	s7 =	ssub.s32 $0x2, s7  }
0x8: {  	[smem:$0x7FF] =	sst s3;
	s8 =	smul.u32 $0x186, s8;
	s9 =	sshrl.u32 s7, $0x1  }
0x9: {  	s1 =	rddreg [dreg:$0x4];
	_ =	strace $0x80000047;
	s7 =	ssub.s32 s7, s9  }
0xa: {  	s9 =	simm.s32 $0xD80;
	s4 =	sadd.s32 s4, s8;
	s5 =	sadd.s32 s5, s8  }
0xb: {  	s6 =	sadd.s32 s6, s8;
	s7 =	smax.u32 s7, $0x1;
	s8 =	simm.s32 $0x80  }
.LBB2_1:
0xc: {  	[tilespmem:s8], [sflag:$0x1] =	stream.linear.gather [hbm4b:s4+s3], $0xCD0, $0x38;
	[tilespmem:$0x2780] =	vst v63  }
0xd: {  	_ = 	snop  }
0xe: {  	[tilespmem:s9], [sflag:$0x2] =	stream.linear.gather [hbm4b:s5+s3], $0xCD0, $0x38;
	[tilespmem:$0x2780] =	vst v63  }
0xf: {  	_ = 	snop  }
0x10: {  	[tilespmem:s3], [sflag:$0x3] =	stream.linear.gather [hbm4b:s2+s3], $0x80, $0x38;
	[tilespmem:$0x2780] =	vst v63  }
0x11: {  	_ =	swait.ge [sflag:s10], $0x80  }
0x12: {  	[sflag:s10] =	ssyncset.done $0x0  }
0x13: {  	[sflag:s10] =	ssyncadd.s32 $0xFFFFFF80  }
0x14: {  	_ =	swait.ge [sflag:s11], $0xCD0  }
0x15: {  	[sflag:s11] =	ssyncset.done $0x0  }
0x16: {  	[sflag:s11] =	ssyncadd.s32 $0xFFFFF330  }
0x17: {  	_ =	swait.ge [sflag:s12], $0xCD0  }
0x18: {  	[sflag:s12] =	ssyncset.done $0x0  }
0x19: {  	s15 =	simm.s32 $0xC0;
	[sflag:s12] =	ssyncadd.s32 $0xFFFFF330  }
0x1a: {  	v0 =	vld [tilespmem:s15+$0x30]  }
0x1b: {  	v1 =	vld [tilespmem:s15+$0xFFFFFFD0]  }
0x1c: {  	v2 =	vld [tilespmem:s15+$0xFFFFFFE0]  }
0x1d: {  	v3 =	vld [tilespmem:s15+$0xFFFFFFF0]  }
0x1e: {  	v5 =	vld [tilespmem:s15+$0x0]  }
0x1f: {  	v6 =	vld [tilespmem:s15+$0x10]  }
0x20: {  	v7 =	vld [tilespmem:s15+$0x20]  }
0x21: {  	s19 =	simm.s32 $0xDC0;
	v8 =	vld [tilespmem:s15+$0xFFFFFFC0]  }
0x22: {  	v11 =	vld [tilespmem:s19+$0x30]  }
0x23: {  	v13 =	vld [tilespmem:s19+$0xFFFFFFC0]  }
0x24: {  	v14 =	vld [tilespmem:s19+$0xFFFFFFD0]  }
0x25: {  	v9 =	vld [tilespmem:s19+$0xFFFFFFE0]  }
0x26: {  	v10 =	vld.idx.msk [tilespmem:v0+s3+$0x0], $0xffff  }
0x27: {  	v12 =	vld.idx.msk [tilespmem:v1+s3+$0x0], $0xffff  }
0x28: {  	v4 =	vld.idx.msk [tilespmem:v2+s3+$0x0], $0xffff  }
0x29: {  	v3 =	vld.idx.msk [tilespmem:v3+s3+$0x0], $0xffff  }
0x2a: {  	v2 =	vld.idx.msk [tilespmem:v5+s3+$0x0], $0xffff  }
0x2b: {  	v8 =	vld.idx.msk [tilespmem:v8+s3+$0x0], $0xffff  }
0x2c: {  	v0 =	vld.idx.msk [tilespmem:v6+s3+$0x0], $0xffff  }
0x2d: {  	v1 =	vld.idx.msk [tilespmem:v7+s3+$0x0], $0xffff  }
0x2e: {  	v6 =	vld [tilespmem:s19+$0xFFFFFFF0]  }
0x2f: {  	s20 =	simm.s32 $0x1AC0;
	v5 =	vld [tilespmem:s19+$0x0];
	v10 =	vmul.f32 v11, v10  }
0x30: {  	s21 =	simm.s32 $0x0;
	s16 =	simm.s32 $0xC70;
	s17 =	simm.s32 $0x2700;
	v7 =	vld [tilespmem:s19+$0x10];
	v11 =	vmul.f32 v13, v8  }
0x31: {  	s18 =	simm.s32 $0x1A00;
	s22 =	simm.s32 $0x140;
	s15 =	simm.s32 $0xD00;
	v8 =	vld [tilespmem:s19+$0x20];
	[tilespmem:s20+$0x30] =	vst v10;
	v10 =	vmul.f32 v14, v12  }
.LBB2_2:
0x32: {  	v12 =	vld [tilespmem:s22+$0x30];
	s21 =	sadd.s32 $0x80, s21;
	[tilespmem:s20+$0xFFFFFFC0] =	vst v11;
	v4 =	vmul.f32 v9, v4  }
0x33: {  	v9 =	vld [tilespmem:s22+$0xFFFFFFD0];
	p0 =	slt.u32 s21, $0xC00;
	[tilespmem:s20+$0xFFFFFFD0] =	vst v10;
	v3 =	vmul.f32 v6, v3  }
0x34: {  	v6 =	vld [tilespmem:s22+$0xFFFFFFE0];
	[tilespmem:s20+$0xFFFFFFE0] =	vst v4;
	v2 =	vmul.f32 v5, v2  }
0x35: {  	v5 =	vld [tilespmem:s22+$0xFFFFFFF0];
	[tilespmem:s20+$0xFFFFFFF0] =	vst v3;
	v0 =	vmul.f32 v7, v0  }
0x36: {  	v7 =	vld [tilespmem:s22+$0x0];
	[tilespmem:s20+$0x0] =	vst v2;
	v1 =	vmul.f32 v8, v1  }
0x37: {  	v8 =	vld [tilespmem:s22+$0x10];
	[tilespmem:s20+$0x10] =	vst v0  }
0x38: {  	v10 =	vld [tilespmem:s22+$0x20];
	[tilespmem:s20+$0x20] =	vst v1  }
0x39: {  	v1 =	vld [tilespmem:s22+$0xFFFFFFC0]  }
0x3a: {  	s19 =	sadd.s32 $0x80, s19;
	v11 =	vld.idx.msk [tilespmem:v12+s3+$0x0], $0xffff  }
0x3b: {  	v12 =	vld [tilespmem:s19+$0x30]  }
0x3c: {  	v13 =	vld.idx.msk [tilespmem:v9+s3+$0x0], $0xffff  }
0x3d: {  	v4 =	vld.idx.msk [tilespmem:v6+s3+$0x0], $0xffff  }
0x3e: {  	v3 =	vld.idx.msk [tilespmem:v5+s3+$0x0], $0xffff  }
0x3f: {  	v2 =	vld.idx.msk [tilespmem:v7+s3+$0x0], $0xffff  }
0x40: {  	v0 =	vld.idx.msk [tilespmem:v8+s3+$0x0], $0xffff;
	v5 =	vmul.f32 v12, v11  }
0x41: {  	s20 =	sadd.s32 $0x80, s20;
	v7 =	vld.idx.msk [tilespmem:v1+s3+$0x0], $0xffff  }
0x42: {  	v1 =	vld.idx.msk [tilespmem:v10+s3+$0x0], $0xffff;
	[tilespmem:s20+$0x30] =	vst v5  }
0x43: {  	v8 =	vld [tilespmem:s19+$0xFFFFFFC0]  }
0x44: {  	v10 =	vld [tilespmem:s19+$0xFFFFFFD0]  }
.Ltmp0:
0x45: {  	v9 =	vld [tilespmem:s19+$0xFFFFFFE0];
	(pc) =	sbr.rel @p0 .LBB2_2-.Ltmp0, $4  }
0x46: {  	v6 =	vld [tilespmem:s19+$0xFFFFFFF0]  }
0x47: {  	v5 =	vld [tilespmem:s19+$0x0]  }
0x48: {  	v11 =	vmul.f32 v8, v7;
	v7 =	vld [tilespmem:s19+$0x10]  }
0x49: {  	s22 =	sadd.s32 $0x80, s22;
	v10 =	vmul.f32 v10, v13;
	v8 =	vld [tilespmem:s19+$0x20]  }
0x4a: {  	[tilespmem:s20+$0xFFFFFFC0] =	vst v11;
	v4 =	vmul.f32 v9, v4  }
0x4b: {  	[tilespmem:s20+$0xFFFFFFD0] =	vst v10;
	v3 =	vmul.f32 v6, v3  }
0x4c: {  	[tilespmem:s20+$0xFFFFFFE0] =	vst v4;
	v2 =	vmul.f32 v5, v2  }
0x4d: {  	[tilespmem:s20+$0xFFFFFFF0] =	vst v3;
	v0 =	vmul.f32 v7, v0  }
0x4e: {  	[tilespmem:s20+$0x0] =	vst v2;
	v1 =	vmul.f32 v8, v1  }
0x4f: {  	[tilespmem:s20+$0x10] =	vst v0  }
0x50: {  	[tilespmem:s20+$0x20] =	vst v1  }
.LBB2_4:
0x51: {  	v0 =	vld [tilespmem:s15+$0x0];
	_ =	sdelay $0x6  }
0x52: {  	v1 =	vld [tilespmem:s18+$0x0]  }
0x53: {  	v0 =	vld.idx.msk [tilespmem:v0+s3+$0x0], $0xffff  }
0x54: {  	s16 =	sadd.s32 $0x10, s16  }
0x55: {  	p0 =	slt.u32 s16, $0xCC0  }
.Ltmp1:
0x56: {  	_ = 	snop;
	(pc) =	sbr.rel @p0 .LBB2_4-.Ltmp1, $3  }
0x57: {  	_ = 	snop  }
0x58: {  	v0 =	vmul.f32 v1, v0;
	_ =	sdelay $0x1  }
0x59: {  	s18 =	sadd.s32 $0x10, s18;
	s15 =	sadd.s32 $0x10, s15;
	[tilespmem:s17+$0x0] =	vst v0;
	s17 =	sadd.s32 $0x10, s17  }
0x5a: {  	s14 =	sadd.s32 $0x1, s14  }
0x5b: {  	p0 =	sne.s32 s14, s7  }
.Ltmp2:
0x5c: {  	_ = 	snop;
	(pc) =	sbr.rel @p0 .LBB2_1-.Ltmp2, $4  }
0x5d: {  	[hbm4b:s6+s3] =	stream.linear.scatter [tilespmem:s13], [sflag:$0x3], $0xCD0, $0x38;
	[tilespmem:$0x2780] =	vst v63  }
0x5e: {  	_ =	swait.ge [sflag:s10], $0xCD0  }
0x5f: {  	[sflag:s10] =	ssyncset.done $0x0  }
0x60: {  	[sflag:s10] =	ssyncadd.s32 $0xFFFFF330  }
0x61: {  	_ =	sfence.sel $0x180000  }
0x62: {  	[bflag:$0x0] =	sbarrier.arrive $0xFFFF  }
0x63: {  	p0 =	sne.s32 s0, $0x0;
	_ =	strace $0x90000047  }
0x64: {  	s0 =	sadd.s32 @!p0 $0x100000, s1;
	[bflag:$0x2] =	sbarrier.arrive $0xFFFF  }
0x65: {  	[sflag:s0] =	ssyncadd.tile.s32 @!p0 $0x1;
	_ =	shalt  }
.Lfunc_end2:
_tile_overlayer_lowered:
.L_overlay_start_2:
0x66: {  	(tag) =	ssettag $0x2  }
0x67: {  	s0 =	rddreg [dreg:$0x0];
	s2 =	stileid.u32  }
0x68: {  	s1 =	rddreg [dreg:$0x1];
	p0 =	sne.s32 s2, $0x0  }
0x69: {  	s3 =	rddreg [dreg:$0x2];
	[bflag:$0x3] =	sbarrier.arrive $0xFFFF;
	s2 =	simm.s32 @!p0 $0x1C03  }
0x6a: {  	[timem:s3], [sflag:s2] =	dma.local @!p0 [hbm:s0], s1  }
0x6b: {  	s0 =	simm.s32 @!p0 $0x3  }
0x6c: {  	_ =	swait.ge @!p0 [sflag:s0], s1  }
0x6d: {  	s1 =	ssub.s32 @!p0 $0x0, s1;
	[sflag:s0] =	ssyncset.done @!p0 $0x0  }
0x6e: {  	[sflag:s0] =	ssyncadd.s32 @!p0 s1  }
0x6f: {  	[bflag:$0x3] =	sbarrier.arrive $0xFFFF  }
0x70: {  	_ =	shalt  }

</sc_bundles>
